<compile_context>
chip_gen: v7x
topology: tpu7x:2x2x1
jax: 0.10.2.dev20260603
libtpu: 0.0.44.dev20260713+nightly
codegen_flags: <defaults>
</compile_context>

<pallas_src>
import functools

import jax
import jax.numpy as jnp
from jax import lax
from jax.experimental import pallas as pl
from jax.experimental.pallas import tpu as pltpu
from jax.experimental.pallas import tpu_sc as plsc

_N = 10000
_E = 320000
_G = 16

_NC = 2
_NS = 16
_L = 16

_EPT = _E // _NS


def _hist_body(iei_hbm, eei_hbm, ones_hbm, zeros_hbm, out_hbm,
               idx_v, ones_v, hist_sh):
    c = lax.axis_index("c")
    s = lax.axis_index("s")

    pltpu.sync_copy(ones_hbm, ones_v)

    @pl.when(c == 0)
    def _load_internal():
        pltpu.sync_copy(iei_hbm.at[pl.ds(s * _EPT, _EPT)], idx_v)

    @pl.when(c == 1)
    def _load_external():
        pltpu.sync_copy(eei_hbm.at[pl.ds(s * _EPT, _EPT)], idx_v)

    @pl.when(s == 0)
    def _zero_hist():
        pltpu.sync_copy(zeros_hbm, hist_sh)

    plsc.subcore_barrier()

    pltpu.sync_copy(ones_v, hist_sh.at[idx_v], add=True)

    plsc.subcore_barrier()

    @pl.when(s == 0)
    def _writeback():
        pltpu.sync_copy(hist_sh, out_hbm.at[c])


@functools.cache
def _hist_kernel():
    return pl.kernel(
        _hist_body,
        out_type=jax.ShapeDtypeStruct((_NC, _N), jnp.float32),
        mesh=plsc.VectorSubcoreMesh(
            core_axis_name="c", subcore_axis_name="s",
            num_cores=_NC, num_subcores=_NS),
        scratch_types=[
            pltpu.VMEM((_EPT,), jnp.int32),
            pltpu.VMEM((_EPT,), jnp.float32),
            pltpu.VMEM_SHARED((_N,), jnp.float32),
        ],
    )


def _dense_body(x_ref, hist_ref, batch_ref,
                w1i, b1i, w2i, b2i, w3i, b3i,
                w1e, b1e, w2e, b2e, w3e, b3e,
                fc1w, fc1b, fc2w, fc2b, out_ref):
    x = x_ref[...]
    relu = jax.nn.relu
    f32 = jnp.float32

    def mm(a, b, dims):
        return lax.dot_general(a, b, (dims, ((), ())),
                               preferred_element_type=f32)

    def col(b):
        return jnp.swapaxes(b[...], 0, 1)

    def branch(d_row, w1, b1, w2, b2, w3, b3):
        h = relu(d_row * (mm(w1[...], x, ((1,), (1,))) + col(b1)))
        h = relu(d_row * (mm(w2[...], h, ((1,), (0,))) + col(b2)))
        h = relu(d_row * (mm(w3[...], h, ((1,), (0,))) + col(b3)))
        return h

    i3t = branch(hist_ref[0:1, :], w1i, b1i, w2i, b2i, w3i, b3i)
    e3t = branch(hist_ref[1:2, :], w1e, b1e, w2e, b2e, w3e, b3e)

    g_iota = lax.broadcasted_iota(jnp.int32, (_G, _N), 0)
    m = (batch_ref[...] == g_iota).astype(f32)
    cnt = jnp.maximum(mm(jnp.ones((1, _N), f32), m, ((1,), (1,))), 1.0)
    ipgt = mm(i3t, m, ((1,), (1,))) / cnt
    epgt = mm(e3t, m, ((1,), (1,))) / cnt
    ut = jnp.concatenate([ipgt, epgt], axis=0)
    o1t = relu(mm(fc1w[...], ut, ((1,), (0,))) + col(fc1b))
    out_ref[...] = mm(o1t, fc2w[...], ((0,), (1,))) + fc2b[...]


def kernel(x, internal_edge_index, internal_edge_attr, edge_index, edge_attr,
           batch, params):
    del internal_edge_attr, edge_attr

    ones_c = jnp.ones((_EPT,), jnp.float32)
    zeros_c = jnp.zeros((_N,), jnp.float32)
    hist = _hist_kernel()(internal_edge_index.astype(jnp.int32).reshape(-1),
                          edge_index.astype(jnp.int32).reshape(-1),
                          ones_c, zeros_c)

    return hist
    p = params
    args = (
        x, hist, batch.astype(jnp.int32).reshape(1, _N),
        p["iml1"]["fn_w"], p["iml1"]["fn_b"].reshape(1, -1),
        p["iml2"]["fn_w"], p["iml2"]["fn_b"].reshape(1, -1),
        p["iml3"]["fn_w"], p["iml3"]["fn_b"].reshape(1, -1),
        p["eml1"]["fn_w"], p["eml1"]["fn_b"].reshape(1, -1),
        p["eml2"]["fn_w"], p["eml2"]["fn_b"].reshape(1, -1),
        p["eml3"]["fn_w"], p["eml3"]["fn_b"].reshape(1, -1),
        p["fc1_w"], p["fc1_b"].reshape(1, -1),
        p["fc2_w"], p["fc2_b"].reshape(1, -1),
    )
    return pl.pallas_call(
        _dense_body,
        out_shape=jax.ShapeDtypeStruct((_G, 8), jnp.float32),
    )(*args)

# --- scband reference (transcript-rebuilt; emitter-appended) ---
"""Pipeline reference for scband-simple-gi-network-28003186770215 (READ-ONLY COPY).

The authoritative reference and input builder live on the scoring server;
editing this copy changes nothing except your own understanding.
"""

import jax, jax.numpy as jnp
import numpy as np

N = 10000
E = 320000
D = 128
DE = 16
G = 16
OUT = 8


def _linear_param(key, fan_in, shape):
    b = 1.0 / np.sqrt(fan_in)
    return jax.random.uniform(key, shape, minval=-b, maxval=b, dtype=jnp.float32)


def _message_layer_params(key, d_in, d_edge, d_out):
    ks = jax.random.split(key, 6)
    attn_in = 2 * d_out + d_edge
    return {
        "fn_w": _linear_param(ks[0], d_in, (d_out, d_in)),
        "fn_b": _linear_param(ks[1], d_in, (d_out,)),
        "fe_w": _linear_param(ks[2], d_edge, (d_edge, d_edge)),
        "fe_b": _linear_param(ks[3], d_edge, (d_edge,)),
        "fa_w": _linear_param(ks[4], attn_in, (1, attn_in)),
        "fa_b": _linear_param(ks[5], attn_in, (1,)),
    }


def setup_inputs(seed: int = 0):
    key = jax.random.key(seed)
    ks = jax.random.split(key, 16)
    x = jax.random.normal(ks[0], (N, D), dtype=jnp.float32)
    internal_edge_index = jax.random.randint(ks[1], (2, E), 0, N)
    internal_edge_attr = jax.random.normal(ks[2], (E, DE), dtype=jnp.float32)
    edge_index = jax.random.randint(ks[3], (2, E), 0, N)
    edge_attr = jax.random.normal(ks[4], (E, DE), dtype=jnp.float32)
    batch = jnp.sort(jax.random.randint(ks[5], (N,), 0, G))
    params = {
        "iml1": _message_layer_params(ks[6], D, DE, 16),
        "iml2": _message_layer_params(ks[7], 16, DE, 16),
        "iml3": _message_layer_params(ks[8], 16, DE, 32),
        "eml1": _message_layer_params(ks[9], D, DE, 16),
        "eml2": _message_layer_params(ks[10], 16, DE, 16),
        "eml3": _message_layer_params(ks[11], 16, DE, 32),
        "fc1_w": _linear_param(ks[12], 64, (128, 64)),
        "fc1_b": _linear_param(ks[13], 64, (128,)),
        "fc2_w": _linear_param(ks[14], 128, (OUT, 128)),
        "fc2_b": _linear_param(ks[15], 128, (OUT,)),
    }
    return {
        "x": x,
        "internal_edge_index": internal_edge_index,
        "internal_edge_attr": internal_edge_attr,
        "edge_index": edge_index,
        "edge_attr": edge_attr,
        "batch": batch,
        "params": params,
    }


def _message_layer(p, x, ei, ea):
    n0 = ei[0]
    n1 = ei[1]
    h0 = x[n0] @ p["fn_w"].T + p["fn_b"]
    h1 = x[n1] @ p["fn_w"].T + p["fn_b"]
    eo = ea @ p["fe_w"].T + p["fe_b"]
    ai = jnp.concatenate([h0, h1, eo], axis=1)
    a = ai @ p["fa_w"].T + p["fa_b"]
    # softmax over dim=1 of a size-1 axis -> all ones (faithful to original)
    att = jax.nn.softmax(jax.nn.leaky_relu(a, negative_slope=0.01), axis=1)
    msg = att * h0
    return jax.ops.segment_sum(msg, n0, num_segments=x.shape[0])


def _segment_mean(data, seg, num):
    s = jax.ops.segment_sum(data, seg, num_segments=num)
    c = jax.ops.segment_sum(jnp.ones((data.shape[0], 1), data.dtype), seg, num_segments=num)
    return s / jnp.maximum(c, 1.0)


def _forward(x, internal_edge_attr, edge_attr, params, internal_edge_index, edge_index, batch):
    relu = jax.nn.relu
    i1 = relu(_message_layer(params["iml1"], x, internal_edge_index, internal_edge_attr))
    i2 = relu(_message_layer(params["iml2"], i1, internal_edge_index, internal_edge_attr))
    i3 = relu(_message_layer(params["iml3"], i2, internal_edge_index, internal_edge_attr))
    e1 = relu(_message_layer(params["eml1"], x, edge_index, edge_attr))
    e2 = relu(_message_layer(params["eml2"], e1, edge_index, edge_attr))
    e3 = relu(_message_layer(params["eml3"], e2, edge_index, edge_attr))
    ipg = _segment_mean(i3, batch, G)
    epg = _segment_mean(e3, batch, G)
    u = jnp.concatenate([ipg, epg], axis=1)
    o1 = relu(u @ params["fc1_w"].T + params["fc1_b"])
    # dropout in eval mode (training=False) is identity
    o2 = o1 @ params["fc2_w"].T + params["fc2_b"]
    return o2


def reference(x, internal_edge_index, internal_edge_attr, edge_index, edge_attr, batch, params):
    return _forward(x, internal_edge_attr, edge_attr, params, internal_edge_index, edge_index, batch)

if __name__ == "__main__":
    import jax
    _d = setup_inputs()
    print(jax.jit(kernel)(*tuple(_d.values())))

</pallas_src>

<mosaic_0001>
#map = affine_map<(d0, d1) -> (0)>
#map1 = affine_map<(d0, d1) -> (0, 0)>
module attributes {stable_mosaic.version = 14 : i64} {
  func.func @_hist_body(%arg0: i32, %arg1: i32, %arg2: memref<640000xi32, #tpu.memory_space<hbm>>, %arg3: memref<640000xi32, #tpu.memory_space<hbm>>, %arg4: memref<20000xf32, #tpu.memory_space<hbm>>, %arg5: memref<10000xf32, #tpu.memory_space<hbm>>, %arg6: memref<2x10000xf32, #tpu.memory_space<hbm>>, %arg7: memref<20000xi32, #tpu.memory_space<vmem>>, %arg8: memref<20000xf32, #tpu.memory_space<vmem>>, %arg9: memref<10000xf32, #tpu.memory_space<vmem_shared>>) attributes {dimension_semantics = [#tpu.dimension_semantics<core_parallel>, #tpu.dimension_semantics<subcore_parallel>], iteration_bounds = array<i64: 2, 16>, scalar_prefetch = 0 : i64, scratch_operands = 3 : i64, tpu.core_type = #tpu.core_type<sc_vector_subcore>, window_params = [{transform_indices = #map}, {transform_indices = #map}, {transform_indices = #map}, {transform_indices = #map}, {transform_indices = #map1}]} {
    "tpu.region"() ({
      %run_scoped3A = tpu.sem_alloc : memref<!tpu.dma_semaphore, #tpu.memory_space<semaphore_mem>>
      tpu.enqueue_dma source(%arg4 : memref<20000xf32, #tpu.memory_space<hbm>>) target(%arg8 : memref<20000xf32, #tpu.memory_space<vmem>>) target_semaphore(%run_scoped3A : memref<!tpu.dma_semaphore, #tpu.memory_space<semaphore_mem>>)
      tpu.wait_dma2 semaphore(%run_scoped3A : memref<!tpu.dma_semaphore, #tpu.memory_space<semaphore_mem>>) src(%arg4 : memref<20000xf32, #tpu.memory_space<hbm>>) dst(%arg8 : memref<20000xf32, #tpu.memory_space<vmem>>)
      tpu.yield
    }) : () -> ()
    %eq3A = arith.constant 0 : i32
    %eq3A_0 = arith.cmpi eq, %arg0, %eq3A : i32
    %convert_element_type3A = arith.extui %eq3A_0 : i1 to i32
    %cond3A = arith.constant 0 : i32
    %cond3A_1 = arith.cmpi ne, %convert_element_type3A, %cond3A : i32
    scf.if %cond3A_1 {
      %mul3A = arith.constant 20000 : i32
      %mul3A_18 = arith.muli %arg1, %mul3A : i32
      "tpu.region"() ({
        %run_scoped3A = tpu.sem_alloc : memref<!tpu.dma_semaphore, #tpu.memory_space<semaphore_mem>>
        %dma_start3A = tpu.memref_slice %arg2[%mul3A_18] : memref<640000xi32, #tpu.memory_space<hbm>> -> memref<20000xi32, #tpu.memory_space<hbm>>
        %dma_start3A_19 = tpu.memref_slice %arg2[%mul3A_18] : memref<640000xi32, #tpu.memory_space<hbm>> -> memref<20000xi32, #tpu.memory_space<hbm>>
        tpu.enqueue_dma source(%dma_start3A_19 : memref<20000xi32, #tpu.memory_space<hbm>>) target(%arg7 : memref<20000xi32, #tpu.memory_space<vmem>>) target_semaphore(%run_scoped3A : memref<!tpu.dma_semaphore, #tpu.memory_space<semaphore_mem>>)
        %dma_wait3A = tpu.memref_slice %arg2[%mul3A_18] : memref<640000xi32, #tpu.memory_space<hbm>> -> memref<20000xi32, #tpu.memory_space<hbm>>
        %dma_wait3A_20 = tpu.memref_slice %arg2[%mul3A_18] : memref<640000xi32, #tpu.memory_space<hbm>> -> memref<20000xi32, #tpu.memory_space<hbm>>
        tpu.wait_dma2 semaphore(%run_scoped3A : memref<!tpu.dma_semaphore, #tpu.memory_space<semaphore_mem>>) src(%dma_wait3A_20 : memref<20000xi32, #tpu.memory_space<hbm>>) dst(%arg7 : memref<20000xi32, #tpu.memory_space<vmem>>)
        tpu.yield
      }) : () -> ()
    } else {
    }
    %eq3A_2 = arith.constant 1 : i32
    %eq3A_3 = arith.cmpi eq, %arg0, %eq3A_2 : i32
    %convert_element_type3A_4 = arith.extui %eq3A_3 : i1 to i32
    %cond3A_5 = arith.constant 0 : i32
    %cond3A_6 = arith.cmpi ne, %convert_element_type3A_4, %cond3A_5 : i32
    scf.if %cond3A_6 {
      %mul3A = arith.constant 20000 : i32
      %mul3A_18 = arith.muli %arg1, %mul3A : i32
      "tpu.region"() ({
        %run_scoped3A = tpu.sem_alloc : memref<!tpu.dma_semaphore, #tpu.memory_space<semaphore_mem>>
        %dma_start3A = tpu.memref_slice %arg3[%mul3A_18] : memref<640000xi32, #tpu.memory_space<hbm>> -> memref<20000xi32, #tpu.memory_space<hbm>>
        %dma_start3A_19 = tpu.memref_slice %arg3[%mul3A_18] : memref<640000xi32, #tpu.memory_space<hbm>> -> memref<20000xi32, #tpu.memory_space<hbm>>
        tpu.enqueue_dma source(%dma_start3A_19 : memref<20000xi32, #tpu.memory_space<hbm>>) target(%arg7 : memref<20000xi32, #tpu.memory_space<vmem>>) target_semaphore(%run_scoped3A : memref<!tpu.dma_semaphore, #tpu.memory_space<semaphore_mem>>)
        %dma_wait3A = tpu.memref_slice %arg3[%mul3A_18] : memref<640000xi32, #tpu.memory_space<hbm>> -> memref<20000xi32, #tpu.memory_space<hbm>>
        %dma_wait3A_20 = tpu.memref_slice %arg3[%mul3A_18] : memref<640000xi32, #tpu.memory_space<hbm>> -> memref<20000xi32, #tpu.memory_space<hbm>>
        tpu.wait_dma2 semaphore(%run_scoped3A : memref<!tpu.dma_semaphore, #tpu.memory_space<semaphore_mem>>) src(%dma_wait3A_20 : memref<20000xi32, #tpu.memory_space<hbm>>) dst(%arg7 : memref<20000xi32, #tpu.memory_space<vmem>>)
        tpu.yield
      }) : () -> ()
    } else {
    }
    %eq3A_7 = arith.constant 0 : i32
    %eq3A_8 = arith.cmpi eq, %arg1, %eq3A_7 : i32
    %convert_element_type3A_9 = arith.extui %eq3A_8 : i1 to i32
    %cond3A_10 = arith.constant 0 : i32
    %cond3A_11 = arith.cmpi ne, %convert_element_type3A_9, %cond3A_10 : i32
    scf.if %cond3A_11 {
      "tpu.region"() ({
        %run_scoped3A = tpu.sem_alloc : memref<!tpu.dma_semaphore, #tpu.memory_space<semaphore_mem>>
        tpu.enqueue_dma source(%arg5 : memref<10000xf32, #tpu.memory_space<hbm>>) target(%arg9 : memref<10000xf32, #tpu.memory_space<vmem_shared>>) target_semaphore(%run_scoped3A : memref<!tpu.dma_semaphore, #tpu.memory_space<semaphore_mem>>)
        tpu.wait_dma2 semaphore(%run_scoped3A : memref<!tpu.dma_semaphore, #tpu.memory_space<semaphore_mem>>) src(%arg5 : memref<10000xf32, #tpu.memory_space<hbm>>) dst(%arg9 : memref<10000xf32, #tpu.memory_space<vmem_shared>>)
        tpu.yield
      }) : () -> ()
    } else {
    }
    %barrier3A = arith.constant 0 : index
    tpu.barrier barrier_id(%barrier3A)
    "tpu.region"() ({
      %run_scoped3A = tpu.sem_alloc : memref<!tpu.dma_semaphore, #tpu.memory_space<semaphore_mem>>
      %dma_start3A = arith.constant 0 : i32
      %dma_start3A_18 = tpu.memref_slice %arg9[%dma_start3A] : memref<10000xf32, #tpu.memory_space<vmem_shared>> -> memref<10000xf32, #tpu.memory_space<vmem_shared>>
      tpu.enqueue_indirect_dma source(%arg8 : memref<20000xf32, #tpu.memory_space<vmem>>) target(%dma_start3A_18 : memref<10000xf32, #tpu.memory_space<vmem_shared>>) offsets(%arg7 : memref<20000xi32, #tpu.memory_space<vmem>>) semaphore(%run_scoped3A : memref<!tpu.dma_semaphore, #tpu.memory_space<semaphore_mem>>) {add = true}
      %dma_wait3A = arith.constant 0 : i32
      %dma_wait3A_19 = tpu.memref_slice %arg9[%dma_wait3A] : memref<10000xf32, #tpu.memory_space<vmem_shared>> -> memref<10000xf32, #tpu.memory_space<vmem_shared>>
      tpu.wait_indirect_dma semaphore(%run_scoped3A : memref<!tpu.dma_semaphore, #tpu.memory_space<semaphore_mem>>) src(%arg8 : memref<20000xf32, #tpu.memory_space<vmem>>) dst(%dma_wait3A_19 : memref<10000xf32, #tpu.memory_space<vmem_shared>>)
      tpu.yield
    }) : () -> ()
    %barrier3A_12 = arith.constant 0 : index
    tpu.barrier barrier_id(%barrier3A_12)
    %eq3A_13 = arith.constant 0 : i32
    %eq3A_14 = arith.cmpi eq, %arg1, %eq3A_13 : i32
    %convert_element_type3A_15 = arith.extui %eq3A_14 : i1 to i32
    %cond3A_16 = arith.constant 0 : i32
    %cond3A_17 = arith.cmpi ne, %convert_element_type3A_15, %cond3A_16 : i32
    scf.if %cond3A_17 {
      "tpu.region"() ({
        %run_scoped3A = tpu.sem_alloc : memref<!tpu.dma_semaphore, #tpu.memory_space<semaphore_mem>>
        %dma_start3A = arith.constant 0 : i32
        %dma_start3A_18 = tpu.memref_slice %arg6[%arg0, %dma_start3A] : memref<2x10000xf32, #tpu.memory_space<hbm>> -> memref<1x10000xf32, #tpu.memory_space<hbm>>
        %dma_start3A_19 = tpu.memref_squeeze %dma_start3A_18 : memref<1x10000xf32, #tpu.memory_space<hbm>> -> memref<10000xf32, #tpu.memory_space<hbm>>
        tpu.enqueue_dma source(%arg9 : memref<10000xf32, #tpu.memory_space<vmem_shared>>) target(%dma_start3A_19 : memref<10000xf32, #tpu.memory_space<hbm>>) target_semaphore(%run_scoped3A : memref<!tpu.dma_semaphore, #tpu.memory_space<semaphore_mem>>)
        %dma_wait3A = arith.constant 0 : i32
        %dma_wait3A_20 = tpu.memref_slice %arg6[%arg0, %dma_wait3A] : memref<2x10000xf32, #tpu.memory_space<hbm>> -> memref<1x10000xf32, #tpu.memory_space<hbm>>
        %dma_wait3A_21 = tpu.memref_squeeze %dma_wait3A_20 : memref<1x10000xf32, #tpu.memory_space<hbm>> -> memref<10000xf32, #tpu.memory_space<hbm>>
        tpu.wait_dma2 semaphore(%run_scoped3A : memref<!tpu.dma_semaphore, #tpu.memory_space<semaphore_mem>>) src(%arg9 : memref<10000xf32, #tpu.memory_space<vmem_shared>>) dst(%dma_wait3A_21 : memref<10000xf32, #tpu.memory_space<hbm>>)
        tpu.yield
      }) : () -> ()
    } else {
    }
    return
  }
}

</mosaic_0001>

<sc_bundles>
// kernel: kernel.3.cloned.1.call-start
scs
__scs_entry_jumppad:
0x0: {  	(pc) =	sbr.rel $0x88, $3  }
0x1: {  	(tag) =	ssettag $0x0;
	lr =	simm.s32 $0x1  }
0x2: {  	[smem:$0x3F9F] =	sst lr;
	_ =	strace $0xD0000000  }
0x3: {  	_ = 	snop  }
0x4: {  	_ = 	snop  }
0x5: {  	_ = 	snop  }
0x6: {  	_ = 	snop  }
0x7: {  	_ = 	snop  }
__scs_overlays_trampoline_lowered:
0x8: {  	[smem:$0x3FAE] =	sst s0  }
0x9: {  	[smem:$0x3FAF] =	sst s1  }
0xa: {  	[smem:$0x3FB0] =	sst s2  }
0xb: {  	[smem:$0x3FB1] =	sst s3  }
0xc: {  	[smem:$0x3FB2] =	sst s4  }
0xd: {  	[smem:$0x3FB3] =	sst s5  }
0xe: {  	[smem:$0x3FB4] =	sst s6  }
0xf: {  	[smem:$0x3FB5] =	sst s7  }
0x10: {  	[smem:$0x3FB6] =	sst s8  }
0x11: {  	[smem:$0x3FB7] =	sst s9;
	s0 =	simm.s32 @!p0 $0x0  }
0x12: {  	s1 =	sld [smem:$0x3F9D];
	s0 =	simm.s32 @p0 $0x1  }
0x13: {  	[smem:$0x3FB8] =	sst s0;
	s0 =	simm.s32 @!p1 $0x0  }
0x14: {  	s2 =	sld [smem:$0x3F9C];
	s0 =	simm.s32 @p1 $0x1  }
0x15: {  	[smem:$0x3FB9] =	sst s0;
	s0 =	simm.s32 @!p2 $0x0  }
0x16: {  	s3 =	sld [smem:$0x3FDB];
	s0 =	simm.s32 @p2 $0x1  }
0x17: {  	s4 =	simm.s32 $0x1BF5;
	[smem:$0x3FBB] =	sst s0  }
0x18: {  	s0 =	sld [smem:$0x3F9E];
	_ =	swait.ge [sflag:s4], $0x0  }
0x19: {  	s7 =	sld [smem:$0x3F9F]  }
0x1a: {  	s8 =	sadd.s32 $0xFFFFE003, lr  }
0x1b: {  	s9 =	sadd.s32 $0xFFFFFEF7, lr;
	s5 =	simm.s32 $0xFFFFFFFF;
	p2 =	slt.u32 s8, $0xFFFFF086  }
0x1c: {  	p1 =	slt.u32 s9, $0xF7A;
	s5 =	simm.s32 @!p2 $0x0  }
0x1d: {  	s5 =	simm.s32 @p1 $0x1;
	p0 =	seq.s32 s7, s2  }
0x1e: {  	s7 =	smul.u32 @!p0 $0xF7A, s2;
	p2 =	seq.s32 @!p0 s5, $0x0  }
0x1f: {  	s9 =	smul.u32 $0xF7A, s1;
	s8 =	simm.s32 @!p0 $0x1BF5;
	p2 =	por !p2, p0  }
0x20: {  	[sflag:s8] =	ssyncset.s32 @!p0 $0xFFFFF086;
	s6 =	sadd.s32 @!p0 s3, s7;
	s7 =	simm.s32 @!p0 $0x108  }
0x21: {  	s3 =	sadd.s32 s3, s9;
	s6 =	sadd.s32 @!p0 $0x88, s6;
	s7 =	simm.s32 @p2 $0x1082  }
0x22: {  	[simem:s7], [sflag:s8] =	dma.local @!p0 [hbm:s6], $0xF7A  }
0x23: {  	s9 =	sor.u32 $0xD0000000, s2;
	s6 =	simm.s32 $0x108;
	_ =	swait.ge @!p0 [sflag:s8], $0x0  }
0x24: {  	s3 =	sadd.s32 $0x88, s3;
	s6 =	simm.s32 @!p1 $0x1082;
	[sflag:s4] =	ssyncset.s32 $0xFFFFF086  }
0x25: {  	[simem:s6], [sflag:s4] =	dma.local [hbm:s3], $0xF7A  }
0x26: {  	[smem:$0x3F9F] =	sst s1;
	(tag) =	ssettag s2;
	_ =	strace s9  }
0x27: {  	s1 =	sld [smem:$0x3FAF]  }
0x28: {  	s2 =	sld [smem:$0x3FB0]  }
0x29: {  	s4 =	sld [smem:$0x3FB2]  }
0x2a: {  	p0 =	seq.s32 s5, $0x0;
	s5 =	sld [smem:$0x3FB3]  }
0x2b: {  	s6 =	sld [smem:$0x3FB4]  }
0x2c: {  	s7 =	sld [smem:$0x3FB5]  }
0x2d: {  	s3 =	simm.s32 $0x108;
	s8 =	sld [smem:$0x3FB6]  }
0x2e: {  	s3 =	simm.s32 @!p0 $0x1082;
	s9 =	sld [smem:$0x3FB7]  }
0x2f: {  	lr =	sadd.s32 s0, s3;
	s0 =	sld [smem:$0x3FAE]  }
0x30: {  	s3 =	sld [smem:$0x3FB1]  }
0x31: {  	[smem:$0x3FBA] =	sst s10  }
0x32: {  	s10 =	sld [smem:$0x3FB8];
	_ =	sdelay $0x3  }
0x33: {  	p0 =	seq.s32 s10, $0x1;
	s10 =	sld [smem:$0x3FBA];
	_ =	sdelay $0x3  }
0x34: {  	[smem:$0x3FBA] =	sst s10  }
0x35: {  	s10 =	sld [smem:$0x3FB9];
	_ =	sdelay $0x3  }
0x36: {  	p1 =	seq.s32 s10, $0x1;
	s10 =	sld [smem:$0x3FBA];
	_ =	sdelay $0x3  }
0x37: {  	[smem:$0x3FBA] =	sst s10  }
0x38: {  	s10 =	sld [smem:$0x3FBB]  }
0x39: {  	_ = 	snop;
	(pc) =	sbr.ind lr, $3  }
0x3a: {  	_ = 	snop  }
0x3b: {  	_ = 	snop  }
0x3c: {  	p2 =	seq.s32 s10, $0x1;
	s10 =	sld [smem:$0x3FBA]  }
0x3d: {  	_ =	shalt  }
0x3e: {  	_ =	shalt  }
0x3f: {  	_ =	shalt  }
0x40: {  	_ =	shalt  }
0x41: {  	_ =	shalt  }
0x42: {  	_ =	shalt  }
0x43: {  	_ =	shalt  }
0x44: {  	_ =	shalt  }
0x45: {  	_ =	shalt  }
0x46: {  	_ =	shalt  }
0x47: {  	_ =	shalt  }
0x48: {  	_ =	shalt  }
0x49: {  	_ =	shalt  }
0x4a: {  	_ =	shalt  }
0x4b: {  	_ =	shalt  }
0x4c: {  	_ =	shalt  }
0x4d: {  	_ =	shalt  }
0x4e: {  	_ =	shalt  }
0x4f: {  	_ =	shalt  }
0x50: {  	_ =	shalt  }
0x51: {  	_ =	shalt  }
0x52: {  	_ =	shalt  }
0x53: {  	_ =	shalt  }
0x54: {  	_ =	shalt  }
0x55: {  	_ =	shalt  }
0x56: {  	_ =	shalt  }
0x57: {  	_ =	shalt  }
0x58: {  	_ =	shalt  }
0x59: {  	_ =	shalt  }
0x5a: {  	_ =	shalt  }
0x5b: {  	_ =	shalt  }
0x5c: {  	_ =	shalt  }
0x5d: {  	_ =	shalt  }
0x5e: {  	_ =	shalt  }
0x5f: {  	_ =	shalt  }
0x60: {  	_ =	shalt  }
0x61: {  	_ =	shalt  }
0x62: {  	_ =	shalt  }
0x63: {  	_ =	shalt  }
0x64: {  	_ =	shalt  }
0x65: {  	_ =	shalt  }
0x66: {  	_ =	shalt  }
0x67: {  	_ =	shalt  }
0x68: {  	_ =	shalt  }
0x69: {  	_ =	shalt  }
0x6a: {  	_ =	shalt  }
0x6b: {  	_ =	shalt  }
0x6c: {  	_ =	shalt  }
0x6d: {  	_ =	shalt  }
0x6e: {  	_ =	shalt  }
0x6f: {  	_ =	shalt  }
0x70: {  	_ =	shalt  }
0x71: {  	_ =	shalt  }
0x72: {  	_ =	shalt  }
0x73: {  	_ =	shalt  }
0x74: {  	_ =	shalt  }
0x75: {  	_ =	shalt  }
0x76: {  	_ =	shalt  }
0x77: {  	_ =	shalt  }
0x78: {  	_ =	shalt  }
0x79: {  	_ =	shalt  }
0x7a: {  	_ =	shalt  }
0x7b: {  	_ =	shalt  }
0x7c: {  	_ =	shalt  }
0x7d: {  	_ =	shalt  }
0x7e: {  	_ =	shalt  }
0x7f: {  	_ =	shalt  }
0x80: {  	_ =	shalt  }
0x81: {  	_ =	shalt  }
0x82: {  	_ =	shalt  }
0x83: {  	_ =	shalt  }
0x84: {  	_ =	shalt  }
0x85: {  	_ =	shalt  }
0x86: {  	_ =	shalt  }
0x87: {  	_ =	shalt  }
.Lfunc_end0:
.L_simem_size_0:
called_computation_lowered:
.L_overlay_start_0:
0x88: {  	s2 =	sld [smem:$0x3FD9]  }
0x89: {  	s3 =	sld [smem:$0x3FFE];
	_ =	sdelay $0x1  }
0x8a: {  	s1 =	srdreg.scid  }
0x8b: {  	s0 =	sand.u32 $0x1, s1  }
0x8c: {  	s17 =	sshll.u32 s0, $0xA;
	s2 =	sadd.s32 s3, s2  }
0x8d: {  	s2 =	sadd.s32 s2, s17  }
0x8e: {  	[smem:$0x3FC6] =	sst s2  }
0x8f: {  	_ = 	snop  }
0x90: {  	s2 =	sld [smem:$0x3FD0];
	(tm) =	ssettm $0x1  }
0x91: {  	s18 =	sld [smem:$0x3FFB];
	_ =	sdelay $0x3  }
0x92: {  	_ =	strace s18  }
0x93: {  	s3 =	sld [smem:$0x3FFC];
	_ =	sdelay $0x3  }
0x94: {  	_ =	strace s3  }
0x95: {  	s3 =	sld [smem:$0x3FFD];
	_ =	sdelay $0x3  }
0x96: {  	_ =	strace s3  }
0x97: {  	_ =	strace $0x8FFFFFFF  }
0x98: {  	s19 =	sld [smem:$0x3FDB];
	_ =	sdelay $0x1  }
0x99: {  	s4 =	simm.s32 $_scs_section_size  }
0x9a: {  	s5 =	simm.s32 $_size__tile_overlayer_lowered;
	s6 =	simm.s32 $_tile_overlayer_lowered  }
0x9b: {  	s22 =	simm.s32 $0x1BFF;
	s21 =	sshll.u32 s6, $0x1;
	s3 =	sadd.s32 s4, s19  }
0x9c: {  	s7 =	simm.s32 $0x0;
	s20 =	sshll.u32 s5, $0x1;
	s5 =	sadd.s32 s21, s3  }
0x9d: {  	[timem:s7], [sflag:s22] =	dma.local [hbm:s5], s20  }
0x9e: {  	_ =	swait.ge [sflag:s22], s20  }
0x9f: {  	s4 =	ssub.s32 $0x0, s20;
	[sflag:s22] =	ssyncset.done $0x0  }
0xa0: {  	[sflag:s22] =	ssyncadd.s32 s4;
	_ =	sdelay $0x1  }
0xa1: {  	s23 =	simm.s32 $0x1B8B  }
0xa2: {  	_ =	swait.ge [sflag:s23], $0x1  }
0xa3: {  	[sflag:s23] =	ssyncset.done $0x0  }
0xa4: {  	s25 =	simm.s32 $0x1B8E;
	s24 =	sld [smem:$0x3FFE];
	[sflag:s23] =	ssyncadd.s32 $0xFFFFFFFF  }
0xa5: {  	s26 =	simm.s32 $execute0_lowered;
	[smem:$0x3FD2] =	sst s25  }
0xa6: {  	s5 =	sshll.u32 s26, $0x1;
	_ =	strace $0x80000046;
	[dreg:$0x1] =	wrdreg $0xFFFFFFFF  }
0xa7: {  	s28 =	simm.s32 $_size_execute0_lowered;
	s3 =	sadd.s32 s3, s5;
	[dreg:$0x0] =	wrdreg $0x0  }
0xa8: {  	s5 =	sshll.u32 s28, $0x1;
	[dreg:$0x2] =	wrdreg s3  }
0xa9: {  	[dreg:$0x3] =	wrdreg s5  }
0xaa: {  	[dreg:$0x4] =	wrdreg $0xC0  }
0xab: {  	_ =	task [dreg:s7], $0x5FFFF  }
0xac: {  	[dreg:$0x1] =	wrdreg $0xFFFFFFFF  }
0xad: {  	[dreg:$0x0] =	wrdreg $0x60  }
0xae: {  	[dreg:$0x2] =	wrdreg s24  }
0xaf: {  	[dreg:$0x3] =	wrdreg s2  }
0xb0: {  	[dreg:$0x4] =	wrdreg $0x9D000  }
0xb1: {  	[dreg:$0x5] =	wrdreg $0x9  }
0xb2: {  	_ =	task.clear_ibuf [dreg:s7], $0x6FFFF;
	_ =	strace $0x90000046  }
0xb3: {  	s29 =	simm.s32 $0x9;
	_ =	strace $0x80000048  }
0xb4: {  	_ =	swait.ge [sflag:s29], $0x1  }
0xb5: {  	[sflag:s29] =	ssyncadd.s32 $0xFFFFFFFF  }
0xb6: {  	_ =	strace $0x90000048  }
0xb7: {  	_ =	sfence  }
0xb8: {  	s30 =	sld [smem:$0x0];
	_ =	sdelay $0x2  }
0xb9: {  	s31 =	sshll.u32 s1, $0xD;
	s1 =	sshrl.u32 s1, $0x2  }
0xba: {  	s3 =	sand.u32 $0x4000, s31;
	s1 =	sadd.s32 s1, s30  }
0xbb: {  	s0 =	sor.u32 s3, s0;
	s1 =	sshll.u32 s1, $0x11  }
0xbc: {  	s0 =	sor.u32 s1, s0  }
0xbd: {  	s0 =	sadd.s32 $0x8F2B, s0  }
0xbe: {  	[sflag:s0] =	ssyncadd.remote.s32 $0x1  }
0xbf: {  	_ =	sfence.sel $0xFFFF  }
0xc0: {  	[dreg:$0x0] =	wrdreg $0xFFFFFFFF;
	(pc) =	sbr.abs _section_cstart, $3  }
0xc1: {  	[dreg:$0x1] =	wrdreg $0xFFFFFFFF  }
0xc2: {  	_ =	task.clear_ibuf [dreg:s7], $0x2FFFF;
	_ =	strace $0x9FFFFFFF  }
0xc3: {  	(tm) =	ssettm $0x7FFFFFFF  }
tec
execute0_lowered:
.L_overlay_start_1:
0x0: {  	(tag) =	ssettag $0x1  }
0x1: {  	s11 =	rddreg [dreg:$0x0]  }
0x2: {  	s18 =	rddreg [dreg:$0x1]  }
0x3: {  	s1 =	rddreg [dreg:$0x2]  }
0x4: {  	s0 =	rddreg [dreg:$0x3];
	s2 =	simm.s32 $0x0;
	s3 =	srdreg.scid  }
0x5: {  	s7 =	stileid.u32;
	s6 =	simm.s32 $0x14000;
	s4 =	simm.s32 $0x4E80  }
0x6: {  	s5 =	simm.s32 $0x1;
	[smem:$0x7FF] =	sst s2;
	s19 =	sand.u32 $0x1, s3  }
0x7: {  	s3 =	sadd.s32 $0x28000, s11;
	_ =	strace $0x80000047;
	p0 =	seq.s32 s19, $0x1  }
0x8: {  	[tilespmem:s4], [sflag:$0x1] =	stream.linear.gather [hbm4b:s3+s2], $0x4E80, $0x38;
	[tilespmem:$0x9F78] =	vst v63  }
0x9: {  	s8 =	smul.u32 $0x9C4, s7;
	s6 =	simm.s32 @!p0 $0x600;
	_ =	swait.ge [sflag:s5], $0x4E80  }
0xa: {  	s6 =	sadd.s32 s6, s11;
	[sflag:s5] =	ssyncset.done $0x0  }
0xb: {  	s6 =	sadd.s32 s6, s8;
	[sflag:s5] =	ssyncadd.s32 $0xFFFFB180  }
0xc: {  	[tilespmem:s2], [sflag:$0x1] =	stream.linear.gather [hbm4b:s6+s2], $0x4E20, $0x38;
	[tilespmem:$0x9F78] =	vst v63  }
0xd: {  	_ =	swait.ge [sflag:s5], $0x4E20  }
0xe: {  	p0 =	sne.s32 s7, $0x0;
	[sflag:s5] =	ssyncset.done $0x0  }
0xf: {  	s7 =	simm.s32 @p0 $0x4E80;
	s9 =	simm.s32 @p0 $0x4E20;
	[sflag:s5] =	ssyncadd.s32 $0xFFFFB1E0  }
0x10: {  	s10 =	simm.s32 @p0 $0x0;
	s8 =	simm.s32 @p0 $0x1;
	[bflag:$0x0] =	sbarrier.arrive @p0 $0xFFFF  }
0x11: {  	[spmem:s1] =	stream.indirect.scatter.add.f32 @p0 [tilespmem:s7], [sflag:$0x1], $0x1, s10, s9, $0xb8;
	[tilespmem:$0x9F78] =	vst v63  }
0x12: {  	_ =	swait.ge @p0 [sflag:s8], $0x4E20  }
0x13: {  	[sflag:s8] =	ssyncset.done @p0 $0x0  }
0x14: {  	s11 =	sadd.s32 $0x27A00, s11;
	s13 =	sshrl.u32 @!p0 s1, $0x3;
	[sflag:s8] =	ssyncadd.s32 @p0 $0xFFFFB1E0  }
0x15: {  	s14 =	simm.s32 @!p0 $0x1C01;
	s12 =	simm.s32 @!p0 $0x1;
	[bflag:$0x0] =	sbarrier.arrive @p0 $0xFFFF  }
0x16: {  	[spmem:s13], [sflag:s14] =	dma.local @!p0 [hbm:s11], $0x4F0  }
0x17: {  	s20 =	ssub.s32 $0x2, s19;
	s19 =	sshll.u32 s19, $0x4;
	_ =	swait.ge @!p0 [sflag:s12], $0x4F0  }
0x18: {  	s21 =	sshrl.u32 s20, $0x1;
	s15 =	simm.s32 @!p0 $0x4E80;
	[sflag:s12] =	ssyncset.done @!p0 $0x0  }
0x19: {  	s16 =	simm.s32 @!p0 $0x4E20;
	s20 =	ssub.s32 s20, s21;
	[sflag:s12] =	ssyncadd.s32 @!p0 $0xFFFFFB10  }
0x1a: {  	s17 =	simm.s32 @!p0 $0x0;
	s20 =	smax.u32 s20, $0x1;
	[bflag:$0x0] =	sbarrier.arrive @!p0 $0xFFFF  }
0x1b: {  	[spmem:s1] =	stream.indirect.scatter.add.f32 @!p0 [tilespmem:s15], [sflag:$0x1], $0x1, s17, s16, $0xb8;
	[tilespmem:$0x9F78] =	vst v63  }
0x1c: {  	s18 =	sadd.s32 s18, s19;
	s19 =	sadd.s32 $0xFFFFFFFF, s20;
	_ =	swait.ge @!p0 [sflag:s12], $0x4E20  }
0x1d: {  	p1 =	sne.s32 s19, $0x0;
	[sflag:s12] =	ssyncset.done @!p0 $0x0  }
.Ltmp0:
0x1e: {  	[sflag:s12] =	ssyncadd.s32 @!p0 $0xFFFFB1E0;
	(pc) =	sbr.rel @!p1 .LBB2_2-.Ltmp0, $4  }
0x1f: {  	s21 =	simm.s32 @!p0 $0x10;
	s20 =	simm.s32 @!p0 $0x20;
	[bflag:$0x0] =	sbarrier.arrive @!p0 $0xFFFF  }
0x20: {  	[hbm:s18@s20], [sflag:s14] =	dma.strided @!p0 [spmem:s13@s21], $0x4F0, s12, $0x10   }
0x21: {  	_ =	swait.ge @!p0 [sflag:s12], $0x4F0  }
0x22: {  	[sflag:s12] =	ssyncset.done @!p0 $0x0  }
.LBB2_1:
0x23: {  	s19 =	sadd.s32 $0xFFFFFFFF, s19;
	[sflag:s12] =	ssyncadd.s32 @!p0 $0xFFFFFB10  }
0x24: {  	[tilespmem:s4], [sflag:$0x1] =	stream.linear.gather [hbm4b:s3+s2], $0x4E80, $0x38;
	[tilespmem:$0x9F78] =	vst v63  }
0x25: {  	p1 =	sne.s32 s19, $0x0;
	_ =	swait.ge [sflag:s5], $0x4E80  }
0x26: {  	[sflag:s5] =	ssyncset.done $0x0  }
0x27: {  	[sflag:s5] =	ssyncadd.s32 $0xFFFFB180  }
0x28: {  	[tilespmem:s2], [sflag:$0x1] =	stream.linear.gather [hbm4b:s6+s2], $0x4E20, $0x38;
	[tilespmem:$0x9F78] =	vst v63  }
0x29: {  	_ =	swait.ge [sflag:s5], $0x4E20  }
0x2a: {  	[sflag:s5] =	ssyncset.done $0x0  }
0x2b: {  	[sflag:s5] =	ssyncadd.s32 $0xFFFFB1E0  }
0x2c: {  	[bflag:$0x0] =	sbarrier.arrive @p0 $0xFFFF  }
0x2d: {  	[spmem:s1] =	stream.indirect.scatter.add.f32 @p0 [tilespmem:s7], [sflag:$0x1], $0x1, s10, s9, $0xb8;
	[tilespmem:$0x9F78] =	vst v63  }
0x2e: {  	_ =	swait.ge @p0 [sflag:s8], $0x4E20  }
0x2f: {  	[sflag:s8] =	ssyncset.done @p0 $0x0  }
0x30: {  	[sflag:s8] =	ssyncadd.s32 @p0 $0xFFFFB1E0  }
0x31: {  	[bflag:$0x0] =	sbarrier.arrive @p0 $0xFFFF  }
0x32: {  	[spmem:s13], [sflag:s14] =	dma.local @!p0 [hbm:s11], $0x4F0  }
0x33: {  	_ =	swait.ge @!p0 [sflag:s12], $0x4F0  }
0x34: {  	[sflag:s12] =	ssyncset.done @!p0 $0x0  }
0x35: {  	[sflag:s12] =	ssyncadd.s32 @!p0 $0xFFFFFB10  }
0x36: {  	[bflag:$0x0] =	sbarrier.arrive @!p0 $0xFFFF  }
0x37: {  	[spmem:s1] =	stream.indirect.scatter.add.f32 @!p0 [tilespmem:s15], [sflag:$0x1], $0x1, s17, s16, $0xb8;
	[tilespmem:$0x9F78] =	vst v63  }
0x38: {  	_ =	swait.ge @!p0 [sflag:s12], $0x4E20  }
0x39: {  	[sflag:s12] =	ssyncset.done @!p0 $0x0  }
.Ltmp1:
0x3a: {  	[sflag:s12] =	ssyncadd.s32 @!p0 $0xFFFFB1E0;
	(pc) =	sbr.rel @p1 .LBB2_1-.Ltmp1, $4  }
0x3b: {  	[bflag:$0x0] =	sbarrier.arrive @!p0 $0xFFFF  }
0x3c: {  	[hbm:s18@s20], [sflag:s14] =	dma.strided @!p0 [spmem:s13@s21], $0x4F0, s12, $0x10   }
0x3d: {  	_ =	swait.ge @!p0 [sflag:s12], $0x4F0  }
0x3e: {  	[sflag:s12] =	ssyncset.done @!p0 $0x0  }
.LBB2_2:
0x3f: {  	[sflag:s12] =	ssyncadd.s32 @!p0 $0xFFFFFB10  }
0x40: {  	_ =	sfence.sel $0x180000  }
0x41: {  	[bflag:$0x0] =	sbarrier.arrive $0xFFFF  }
0x42: {  	_ =	strace $0x90000047  }
0x43: {  	s0 =	sadd.s32 @!p0 $0x100000, s0;
	[bflag:$0x2] =	sbarrier.arrive $0xFFFF  }
0x44: {  	[sflag:s0] =	ssyncadd.tile.s32 @!p0 $0x1;
	_ =	shalt  }
.Lfunc_end2:
_tile_overlayer_lowered:
.L_overlay_start_2:
0x45: {  	(tag) =	ssettag $0x2  }
0x46: {  	s0 =	rddreg [dreg:$0x0];
	s2 =	stileid.u32  }
0x47: {  	s1 =	rddreg [dreg:$0x1];
	p0 =	sne.s32 s2, $0x0  }
0x48: {  	s3 =	rddreg [dreg:$0x2];
	[bflag:$0x3] =	sbarrier.arrive $0xFFFF;
	s2 =	simm.s32 @!p0 $0x1C01  }
0x49: {  	[timem:s3], [sflag:s2] =	dma.local @!p0 [hbm:s0], s1  }
0x4a: {  	s0 =	simm.s32 @!p0 $0x1  }
0x4b: {  	_ =	swait.ge @!p0 [sflag:s0], s1  }
0x4c: {  	s1 =	ssub.s32 @!p0 $0x0, s1;
	[sflag:s0] =	ssyncset.done @!p0 $0x0  }
0x4d: {  	[sflag:s0] =	ssyncadd.s32 @!p0 s1  }
0x4e: {  	[bflag:$0x3] =	sbarrier.arrive $0xFFFF  }
0x4f: {  	_ =	shalt  }

</sc_bundles>
